<compile_context>
chip_gen: v7x
topology: tpu7x:2x2x1
jax: 0.10.2.dev20260603
libtpu: 0.0.44.dev20260713+nightly
codegen_flags: <defaults>
</compile_context>

<pallas_src>
import functools

import jax
from jax import lax
import jax.numpy as jnp
from jax.experimental import pallas as pl
from jax.experimental.pallas import tpu as pltpu
from jax.experimental.pallas import tpu_sc as plsc

_B = 1024
_RANK = 32
_N = 100000
_BN = 2048
_BE = 512
_K = 4
_NC = 2
_NS = 16
_NW = _NC * _NS
_BPW = _B // _NW


def _sc_gather_all(entity_emb, rel_emb, lhs_idx, rel_idx, rhs_idx):
    mesh = plsc.VectorSubcoreMesh(core_axis_name="c", subcore_axis_name="s")
    out = jax.ShapeDtypeStruct((_B, _RANK), jnp.float32)

    @functools.partial(
        pl.kernel, mesh=mesh, out_type=(out, out, out),
        compiler_params=pltpu.CompilerParams(use_tc_tiling_on_sc=False),
        scratch_types=[
            pltpu.VMEM((_BPW,), jnp.int32),
            pltpu.VMEM((_BPW, _RANK), jnp.float32),
            pltpu.VMEM((_BPW,), jnp.int32),
            pltpu.VMEM((_BPW, _RANK), jnp.float32),
            pltpu.VMEM((_BPW,), jnp.int32),
            pltpu.VMEM((_BPW, _RANK), jnp.float32),
            pltpu.SemaphoreType.DMA,
            pltpu.SemaphoreType.DMA,
            pltpu.SemaphoreType.DMA,
        ],
    )
    def k(ent_hbm, relt_hbm, li_hbm, ri_hbm, ti_hbm, lhs_hbm, rel_hbm,
          rhs_hbm, li_v, lrow_v, ri_v, rrow_v, ti_v, trow_v, sem1, sem2,
          sem3):
        wid = lax.axis_index("s") * _NC + lax.axis_index("c")
        base = wid * _BPW
        pltpu.sync_copy(li_hbm.at[pl.ds(base, _BPW)], li_v)
        pltpu.sync_copy(ri_hbm.at[pl.ds(base, _BPW)], ri_v)
        pltpu.sync_copy(ti_hbm.at[pl.ds(base, _BPW)], ti_v)
        cp1 = pltpu.async_copy(ent_hbm.at[li_v], lrow_v, sem1)
        cp2 = pltpu.async_copy(relt_hbm.at[ri_v], rrow_v, sem2)
        cp3 = pltpu.async_copy(ent_hbm.at[ti_v], trow_v, sem3)
        cp1.wait()
        pltpu.sync_copy(lrow_v, lhs_hbm.at[pl.ds(base, _BPW)])
        cp2.wait()
        pltpu.sync_copy(rrow_v, rel_hbm.at[pl.ds(base, _BPW)])
        cp3.wait()
        pltpu.sync_copy(trow_v, rhs_hbm.at[pl.ds(base, _BPW)])

    return k(entity_emb, rel_emb, lhs_idx, rel_idx, rhs_idx)


_NP = 100352
_TAIL = _N - 48 * 2048 - 3 * 512


def _score_block_kernel(e_ref, lhs_ref, rel_ref, out_hbm, buf, sems):
    i = pl.program_id(0)
    nsteps = pl.num_programs(0)
    q16 = (lhs_ref[...] * rel_ref[...]).astype(jnp.bfloat16)

    for j in range(_K):
        @pl.when(i > 0)
        def _(j=j):
            pltpu.make_async_copy(
                buf.at[j],
                out_hbm.at[pl.ds(((i - 1) * _K + j) * _BE, _BE), :],
                sems.at[j]).wait()

        acc = jax.lax.dot_general(
            e_ref[:, j * _BE:(j + 1) * _BE].astype(jnp.bfloat16), q16,
            dimension_numbers=(((0,), (1,)), ((), ())),
            preferred_element_type=jnp.float32,
        )
        buf[j] = acc
        if j < _K - 1:
            pltpu.make_async_copy(
                buf.at[j],
                out_hbm.at[pl.ds((i * _K + j) * _BE, _BE), :],
                sems.at[j]).start()
        else:
            @pl.when(i < nsteps - 1)
            def _():
                pltpu.make_async_copy(
                    buf.at[j],
                    out_hbm.at[pl.ds((i * _K + j) * _BE, _BE), :],
                    sems.at[j]).start()

            @pl.when(i == nsteps - 1)
            def _():
                pltpu.make_async_copy(
                    buf.at[j, pl.ds(0, _TAIL), :],
                    out_hbm.at[pl.ds((i * _K + j) * _BE, _TAIL), :],
                    sems.at[j]).start()

    @pl.when(i == nsteps - 1)
    def _():
        for j in range(_K - 1):
            pltpu.make_async_copy(
                buf.at[j],
                out_hbm.at[pl.ds((i * _K + j) * _BE, _BE), :],
                sems.at[j]).wait()
        pltpu.make_async_copy(
            buf.at[_K - 1, pl.ds(0, _TAIL), :],
            out_hbm.at[pl.ds((i * _K + _K - 1) * _BE, _TAIL), :],
            sems.at[_K - 1]).wait()


def _tc_scores_t(lhs, rel, entity_emb):
    e_pad = jnp.pad(entity_emb.T, ((0, 0), (0, _NP - _N)))
    grid = (_NP // (_K * _BE),)
    return pl.pallas_call(
        _score_block_kernel,
        grid=grid,
        in_specs=[
            pl.BlockSpec((_RANK, _K * _BE), lambda i: (0, i)),
            pl.BlockSpec((_B, _RANK), lambda i: (0, 0)),
            pl.BlockSpec((_B, _RANK), lambda i: (0, 0)),
        ],
        out_specs=pl.BlockSpec(memory_space=pl.ANY),
        out_shape=jax.ShapeDtypeStruct((_N, _B), jnp.float32),
        scratch_shapes=[
            pltpu.VMEM((_K, _BE, _B), jnp.float32),
            pltpu.SemaphoreType.DMA((_K,)),
        ],
        compiler_params=pltpu.CompilerParams(
            dimension_semantics=("arbitrary",),
            vmem_limit_bytes=64 * 1024 * 1024,
        ),
    )(e_pad, lhs, rel)


def kernel(queries, entity_emb, rel_emb):
    lhs_idx = queries[:, 0]
    rel_idx = queries[:, 1]
    rhs_idx = queries[:, 2]
    lhs, rel, rhs = _sc_gather_all(entity_emb, rel_emb, lhs_idx, rel_idx,
                                   rhs_idx)
    scores = _tc_scores_t(lhs, rel, entity_emb).T
    return (scores, lhs, rel, rhs)

# --- scband reference (transcript-rebuilt; emitter-appended) ---
"""Pipeline reference for scband-kbcmodel-84524956385796 (READ-ONLY COPY).

The authoritative reference and input builder live on the scoring server;
editing this copy changes nothing except your own understanding.
"""

import jax, jax.numpy as jnp
import numpy as np

N_ENTITIES = 100000
N_RELATIONS = 1000
RANK = 32
BATCH = 1024

def setup_inputs(seed: int = 0) -> dict:
    key = jax.random.key(seed)
    k1, k2, k3 = jax.random.split(key, 3)
    # queries: (lhs, rel, rhs, rel_type_flag) -- 4 columns as used by get_ranking (query[3])
    # fill_max=1000 keeps all columns valid for both entity (100000) and relation (1000) tables
    queries = jax.random.randint(k1, (BATCH, 4), 0, N_RELATIONS, dtype=jnp.int32)
    entity_emb = jax.random.normal(k2, (N_ENTITIES, RANK), dtype=jnp.float32) * 0.1
    rel_emb = jax.random.normal(k3, (N_RELATIONS, RANK), dtype=jnp.float32) * 0.1
    return {"queries": queries, "entity_emb": entity_emb, "rel_emb": rel_emb}

def reference(queries, entity_emb, rel_emb):
    # Concrete KBCModel forward (DistMult-style bilinear scorer):
    # gather lhs/rel/rhs embeddings, score query against ALL entities.
    lhs = jnp.take(entity_emb, queries[:, 0], axis=0)   # [B, rank] gather
    rel = jnp.take(rel_emb, queries[:, 1], axis=0)      # [B, rank] gather
    rhs = jnp.take(entity_emb, queries[:, 2], axis=0)   # [B, rank] gather (factors)
    scores = (lhs * rel) @ entity_emb.T                 # [B, n_entities]
    # forward returns (scores, factors, _); we return the arrays
    return (scores, lhs, rel, rhs)

if __name__ == "__main__":
    import jax
    _d = setup_inputs()
    print(jax.jit(kernel)(*tuple(_d.values())))

</pallas_src>

<mosaic_0001>
#map = affine_map<(d0, d1) -> (0, 0)>
#map1 = affine_map<(d0, d1) -> (0)>
module attributes {stable_mosaic.version = 14 : i64} {
  func.func @k(%arg0: i32, %arg1: i32, %arg2: memref<100000x32xf32, #tpu.memory_space<hbm>>, %arg3: memref<1000x32xf32, #tpu.memory_space<hbm>>, %arg4: memref<1024xi32, #tpu.memory_space<hbm>>, %arg5: memref<1024xi32, #tpu.memory_space<hbm>>, %arg6: memref<1024xi32, #tpu.memory_space<hbm>>, %arg7: memref<1024x32xf32, #tpu.memory_space<hbm>>, %arg8: memref<1024x32xf32, #tpu.memory_space<hbm>>, %arg9: memref<1024x32xf32, #tpu.memory_space<hbm>>, %arg10: memref<32xi32, #tpu.memory_space<vmem>>, %arg11: memref<32x32xf32, #tpu.memory_space<vmem>>, %arg12: memref<32xi32, #tpu.memory_space<vmem>>, %arg13: memref<32x32xf32, #tpu.memory_space<vmem>>, %arg14: memref<32xi32, #tpu.memory_space<vmem>>, %arg15: memref<32x32xf32, #tpu.memory_space<vmem>>, %arg16: memref<!tpu.dma_semaphore, #tpu.memory_space<semaphore_mem>>, %arg17: memref<!tpu.dma_semaphore, #tpu.memory_space<semaphore_mem>>, %arg18: memref<!tpu.dma_semaphore, #tpu.memory_space<semaphore_mem>>) attributes {dimension_semantics = [#tpu.dimension_semantics<core_parallel>, #tpu.dimension_semantics<subcore_parallel>], iteration_bounds = array<i64: 2, 16>, scalar_prefetch = 0 : i64, scratch_operands = 9 : i64, tpu.core_type = #tpu.core_type<sc_vector_subcore>, window_params = [{transform_indices = #map}, {transform_indices = #map}, {transform_indices = #map1}, {transform_indices = #map1}, {transform_indices = #map1}, {transform_indices = #map}, {transform_indices = #map}, {transform_indices = #map}]} {
    %mul3A = arith.constant 2 : i32
    %mul3A_0 = arith.muli %arg1, %mul3A : i32
    %add3A = arith.addi %mul3A_0, %arg0 : i32
    %mul3A_1 = arith.constant 32 : i32
    %mul3A_2 = arith.muli %add3A, %mul3A_1 : i32
    "tpu.region"() ({
      %run_scoped3A = tpu.sem_alloc : memref<!tpu.dma_semaphore, #tpu.memory_space<semaphore_mem>>
      %dma_start3A_19 = tpu.memref_slice %arg4[%mul3A_2] : memref<1024xi32, #tpu.memory_space<hbm>> -> memref<32xi32, #tpu.memory_space<hbm>>
      %dma_start3A_20 = tpu.memref_slice %arg4[%mul3A_2] : memref<1024xi32, #tpu.memory_space<hbm>> -> memref<32xi32, #tpu.memory_space<hbm>>
      tpu.enqueue_dma source(%dma_start3A_20 : memref<32xi32, #tpu.memory_space<hbm>>) target(%arg10 : memref<32xi32, #tpu.memory_space<vmem>>) target_semaphore(%run_scoped3A : memref<!tpu.dma_semaphore, #tpu.memory_space<semaphore_mem>>)
      %dma_wait3A_21 = tpu.memref_slice %arg4[%mul3A_2] : memref<1024xi32, #tpu.memory_space<hbm>> -> memref<32xi32, #tpu.memory_space<hbm>>
      %dma_wait3A_22 = tpu.memref_slice %arg4[%mul3A_2] : memref<1024xi32, #tpu.memory_space<hbm>> -> memref<32xi32, #tpu.memory_space<hbm>>
      tpu.wait_dma2 semaphore(%run_scoped3A : memref<!tpu.dma_semaphore, #tpu.memory_space<semaphore_mem>>) src(%dma_wait3A_22 : memref<32xi32, #tpu.memory_space<hbm>>) dst(%arg10 : memref<32xi32, #tpu.memory_space<vmem>>)
      tpu.yield
    }) : () -> ()
    "tpu.region"() ({
      %run_scoped3A = tpu.sem_alloc : memref<!tpu.dma_semaphore, #tpu.memory_space<semaphore_mem>>
      %dma_start3A_19 = tpu.memref_slice %arg5[%mul3A_2] : memref<1024xi32, #tpu.memory_space<hbm>> -> memref<32xi32, #tpu.memory_space<hbm>>
      %dma_start3A_20 = tpu.memref_slice %arg5[%mul3A_2] : memref<1024xi32, #tpu.memory_space<hbm>> -> memref<32xi32, #tpu.memory_space<hbm>>
      tpu.enqueue_dma source(%dma_start3A_20 : memref<32xi32, #tpu.memory_space<hbm>>) target(%arg12 : memref<32xi32, #tpu.memory_space<vmem>>) target_semaphore(%run_scoped3A : memref<!tpu.dma_semaphore, #tpu.memory_space<semaphore_mem>>)
      %dma_wait3A_21 = tpu.memref_slice %arg5[%mul3A_2] : memref<1024xi32, #tpu.memory_space<hbm>> -> memref<32xi32, #tpu.memory_space<hbm>>
      %dma_wait3A_22 = tpu.memref_slice %arg5[%mul3A_2] : memref<1024xi32, #tpu.memory_space<hbm>> -> memref<32xi32, #tpu.memory_space<hbm>>
      tpu.wait_dma2 semaphore(%run_scoped3A : memref<!tpu.dma_semaphore, #tpu.memory_space<semaphore_mem>>) src(%dma_wait3A_22 : memref<32xi32, #tpu.memory_space<hbm>>) dst(%arg12 : memref<32xi32, #tpu.memory_space<vmem>>)
      tpu.yield
    }) : () -> ()
    "tpu.region"() ({
      %run_scoped3A = tpu.sem_alloc : memref<!tpu.dma_semaphore, #tpu.memory_space<semaphore_mem>>
      %dma_start3A_19 = tpu.memref_slice %arg6[%mul3A_2] : memref<1024xi32, #tpu.memory_space<hbm>> -> memref<32xi32, #tpu.memory_space<hbm>>
      %dma_start3A_20 = tpu.memref_slice %arg6[%mul3A_2] : memref<1024xi32, #tpu.memory_space<hbm>> -> memref<32xi32, #tpu.memory_space<hbm>>
      tpu.enqueue_dma source(%dma_start3A_20 : memref<32xi32, #tpu.memory_space<hbm>>) target(%arg14 : memref<32xi32, #tpu.memory_space<vmem>>) target_semaphore(%run_scoped3A : memref<!tpu.dma_semaphore, #tpu.memory_space<semaphore_mem>>)
      %dma_wait3A_21 = tpu.memref_slice %arg6[%mul3A_2] : memref<1024xi32, #tpu.memory_space<hbm>> -> memref<32xi32, #tpu.memory_space<hbm>>
      %dma_wait3A_22 = tpu.memref_slice %arg6[%mul3A_2] : memref<1024xi32, #tpu.memory_space<hbm>> -> memref<32xi32, #tpu.memory_space<hbm>>
      tpu.wait_dma2 semaphore(%run_scoped3A : memref<!tpu.dma_semaphore, #tpu.memory_space<semaphore_mem>>) src(%dma_wait3A_22 : memref<32xi32, #tpu.memory_space<hbm>>) dst(%arg14 : memref<32xi32, #tpu.memory_space<vmem>>)
      tpu.yield
    }) : () -> ()
    %dma_start3A = arith.constant 0 : i32
    %dma_start3A_3 = arith.constant 0 : i32
    %dma_start3A_4 = tpu.memref_slice %arg2[%dma_start3A, %dma_start3A_3] : memref<100000x32xf32, #tpu.memory_space<hbm>> -> memref<100000x32xf32, #tpu.memory_space<hbm>>
    tpu.enqueue_indirect_dma source(%dma_start3A_4 : memref<100000x32xf32, #tpu.memory_space<hbm>>) target(%arg11 : memref<32x32xf32, #tpu.memory_space<vmem>>) offsets(%arg10 : memref<32xi32, #tpu.memory_space<vmem>>) semaphore(%arg16 : memref<!tpu.dma_semaphore, #tpu.memory_space<semaphore_mem>>)
    %dma_start3A_5 = arith.constant 0 : i32
    %dma_start3A_6 = arith.constant 0 : i32
    %dma_start3A_7 = tpu.memref_slice %arg3[%dma_start3A_5, %dma_start3A_6] : memref<1000x32xf32, #tpu.memory_space<hbm>> -> memref<1000x32xf32, #tpu.memory_space<hbm>>
    tpu.enqueue_indirect_dma source(%dma_start3A_7 : memref<1000x32xf32, #tpu.memory_space<hbm>>) target(%arg13 : memref<32x32xf32, #tpu.memory_space<vmem>>) offsets(%arg12 : memref<32xi32, #tpu.memory_space<vmem>>) semaphore(%arg17 : memref<!tpu.dma_semaphore, #tpu.memory_space<semaphore_mem>>)
    %dma_start3A_8 = arith.constant 0 : i32
    %dma_start3A_9 = arith.constant 0 : i32
    %dma_start3A_10 = tpu.memref_slice %arg2[%dma_start3A_8, %dma_start3A_9] : memref<100000x32xf32, #tpu.memory_space<hbm>> -> memref<100000x32xf32, #tpu.memory_space<hbm>>
    tpu.enqueue_indirect_dma source(%dma_start3A_10 : memref<100000x32xf32, #tpu.memory_space<hbm>>) target(%arg15 : memref<32x32xf32, #tpu.memory_space<vmem>>) offsets(%arg14 : memref<32xi32, #tpu.memory_space<vmem>>) semaphore(%arg18 : memref<!tpu.dma_semaphore, #tpu.memory_space<semaphore_mem>>)
    %dma_wait3A = arith.constant 0 : i32
    %dma_wait3A_11 = arith.constant 0 : i32
    %dma_wait3A_12 = tpu.memref_slice %arg2[%dma_wait3A, %dma_wait3A_11] : memref<100000x32xf32, #tpu.memory_space<hbm>> -> memref<100000x32xf32, #tpu.memory_space<hbm>>
    tpu.wait_indirect_dma semaphore(%arg16 : memref<!tpu.dma_semaphore, #tpu.memory_space<semaphore_mem>>) src(%dma_wait3A_12 : memref<100000x32xf32, #tpu.memory_space<hbm>>) dst(%arg11 : memref<32x32xf32, #tpu.memory_space<vmem>>)
    "tpu.region"() ({
      %run_scoped3A = tpu.sem_alloc : memref<!tpu.dma_semaphore, #tpu.memory_space<semaphore_mem>>
      %dma_start3A_19 = arith.constant 0 : i32
      %dma_start3A_20 = tpu.memref_slice %arg7[%mul3A_2, %dma_start3A_19] : memref<1024x32xf32, #tpu.memory_space<hbm>> -> memref<32x32xf32, #tpu.memory_space<hbm>>
      %dma_start3A_21 = arith.constant 0 : i32
      %dma_start3A_22 = tpu.memref_slice %arg7[%mul3A_2, %dma_start3A_21] : memref<1024x32xf32, #tpu.memory_space<hbm>> -> memref<32x32xf32, #tpu.memory_space<hbm>>
      tpu.enqueue_dma source(%arg11 : memref<32x32xf32, #tpu.memory_space<vmem>>) target(%dma_start3A_22 : memref<32x32xf32, #tpu.memory_space<hbm>>) target_semaphore(%run_scoped3A : memref<!tpu.dma_semaphore, #tpu.memory_space<semaphore_mem>>)
      %dma_wait3A_23 = arith.constant 0 : i32
      %dma_wait3A_24 = tpu.memref_slice %arg7[%mul3A_2, %dma_wait3A_23] : memref<1024x32xf32, #tpu.memory_space<hbm>> -> memref<32x32xf32, #tpu.memory_space<hbm>>
      %dma_wait3A_25 = arith.constant 0 : i32
      %dma_wait3A_26 = tpu.memref_slice %arg7[%mul3A_2, %dma_wait3A_25] : memref<1024x32xf32, #tpu.memory_space<hbm>> -> memref<32x32xf32, #tpu.memory_space<hbm>>
      tpu.wait_dma2 semaphore(%run_scoped3A : memref<!tpu.dma_semaphore, #tpu.memory_space<semaphore_mem>>) src(%arg11 : memref<32x32xf32, #tpu.memory_space<vmem>>) dst(%dma_wait3A_26 : memref<32x32xf32, #tpu.memory_space<hbm>>)
      tpu.yield
    }) : () -> ()
    %dma_wait3A_13 = arith.constant 0 : i32
    %dma_wait3A_14 = arith.constant 0 : i32
    %dma_wait3A_15 = tpu.memref_slice %arg3[%dma_wait3A_13, %dma_wait3A_14] : memref<1000x32xf32, #tpu.memory_space<hbm>> -> memref<1000x32xf32, #tpu.memory_space<hbm>>
    tpu.wait_indirect_dma semaphore(%arg17 : memref<!tpu.dma_semaphore, #tpu.memory_space<semaphore_mem>>) src(%dma_wait3A_15 : memref<1000x32xf32, #tpu.memory_space<hbm>>) dst(%arg13 : memref<32x32xf32, #tpu.memory_space<vmem>>)
    "tpu.region"() ({
      %run_scoped3A = tpu.sem_alloc : memref<!tpu.dma_semaphore, #tpu.memory_space<semaphore_mem>>
      %dma_start3A_19 = arith.constant 0 : i32
      %dma_start3A_20 = tpu.memref_slice %arg8[%mul3A_2, %dma_start3A_19] : memref<1024x32xf32, #tpu.memory_space<hbm>> -> memref<32x32xf32, #tpu.memory_space<hbm>>
      %dma_start3A_21 = arith.constant 0 : i32
      %dma_start3A_22 = tpu.memref_slice %arg8[%mul3A_2, %dma_start3A_21] : memref<1024x32xf32, #tpu.memory_space<hbm>> -> memref<32x32xf32, #tpu.memory_space<hbm>>
      tpu.enqueue_dma source(%arg13 : memref<32x32xf32, #tpu.memory_space<vmem>>) target(%dma_start3A_22 : memref<32x32xf32, #tpu.memory_space<hbm>>) target_semaphore(%run_scoped3A : memref<!tpu.dma_semaphore, #tpu.memory_space<semaphore_mem>>)
      %dma_wait3A_23 = arith.constant 0 : i32
      %dma_wait3A_24 = tpu.memref_slice %arg8[%mul3A_2, %dma_wait3A_23] : memref<1024x32xf32, #tpu.memory_space<hbm>> -> memref<32x32xf32, #tpu.memory_space<hbm>>
      %dma_wait3A_25 = arith.constant 0 : i32
      %dma_wait3A_26 = tpu.memref_slice %arg8[%mul3A_2, %dma_wait3A_25] : memref<1024x32xf32, #tpu.memory_space<hbm>> -> memref<32x32xf32, #tpu.memory_space<hbm>>
      tpu.wait_dma2 semaphore(%run_scoped3A : memref<!tpu.dma_semaphore, #tpu.memory_space<semaphore_mem>>) src(%arg13 : memref<32x32xf32, #tpu.memory_space<vmem>>) dst(%dma_wait3A_26 : memref<32x32xf32, #tpu.memory_space<hbm>>)
      tpu.yield
    }) : () -> ()
    %dma_wait3A_16 = arith.constant 0 : i32
    %dma_wait3A_17 = arith.constant 0 : i32
    %dma_wait3A_18 = tpu.memref_slice %arg2[%dma_wait3A_16, %dma_wait3A_17] : memref<100000x32xf32, #tpu.memory_space<hbm>> -> memref<100000x32xf32, #tpu.memory_space<hbm>>
    tpu.wait_indirect_dma semaphore(%arg18 : memref<!tpu.dma_semaphore, #tpu.memory_space<semaphore_mem>>) src(%dma_wait3A_18 : memref<100000x32xf32, #tpu.memory_space<hbm>>) dst(%arg15 : memref<32x32xf32, #tpu.memory_space<vmem>>)
    "tpu.region"() ({
      %run_scoped3A = tpu.sem_alloc : memref<!tpu.dma_semaphore, #tpu.memory_space<semaphore_mem>>
      %dma_start3A_19 = arith.constant 0 : i32
      %dma_start3A_20 = tpu.memref_slice %arg9[%mul3A_2, %dma_start3A_19] : memref<1024x32xf32, #tpu.memory_space<hbm>> -> memref<32x32xf32, #tpu.memory_space<hbm>>
      %dma_start3A_21 = arith.constant 0 : i32
      %dma_start3A_22 = tpu.memref_slice %arg9[%mul3A_2, %dma_start3A_21] : memref<1024x32xf32, #tpu.memory_space<hbm>> -> memref<32x32xf32, #tpu.memory_space<hbm>>
      tpu.enqueue_dma source(%arg15 : memref<32x32xf32, #tpu.memory_space<vmem>>) target(%dma_start3A_22 : memref<32x32xf32, #tpu.memory_space<hbm>>) target_semaphore(%run_scoped3A : memref<!tpu.dma_semaphore, #tpu.memory_space<semaphore_mem>>)
      %dma_wait3A_23 = arith.constant 0 : i32
      %dma_wait3A_24 = tpu.memref_slice %arg9[%mul3A_2, %dma_wait3A_23] : memref<1024x32xf32, #tpu.memory_space<hbm>> -> memref<32x32xf32, #tpu.memory_space<hbm>>
      %dma_wait3A_25 = arith.constant 0 : i32
      %dma_wait3A_26 = tpu.memref_slice %arg9[%mul3A_2, %dma_wait3A_25] : memref<1024x32xf32, #tpu.memory_space<hbm>> -> memref<32x32xf32, #tpu.memory_space<hbm>>
      tpu.wait_dma2 semaphore(%run_scoped3A : memref<!tpu.dma_semaphore, #tpu.memory_space<semaphore_mem>>) src(%arg15 : memref<32x32xf32, #tpu.memory_space<vmem>>) dst(%dma_wait3A_26 : memref<32x32xf32, #tpu.memory_space<hbm>>)
      tpu.yield
    }) : () -> ()
    return
  }
}

module attributes {stable_mosaic.version = 14 : i64} {
  func.func @_score_block_kernel(%arg0: i32, %arg1: memref<32x2048xf32, #tpu.memory_space<vmem>>, %arg2: memref<1024x32xf32, #tpu.memory_space<vmem>>, %arg3: memref<1024x32xf32, #tpu.memory_space<vmem>>, %arg4: memref<100000x1024xf32, #tpu.memory_space<any>>, %arg5: memref<4x512x1024xf32, #tpu.memory_space<vmem>>, %arg6: memref<4x!tpu.dma_semaphore, #tpu.memory_space<semaphore_mem>>) attributes {dimension_semantics = [#tpu.dimension_semantics<arbitrary>], iteration_bounds = array<i64: 49>, scalar_prefetch = 0 : i64, scratch_operands = 2 : i64, tpu.core_type = #tpu.core_type<tc>, window_params = [{transform_indices = @transform_0, window_bounds = array<i64: 32, 2048>}, {pipeline_mode = #tpu.pipeline_mode<synchronous>, transform_indices = @transform_1, window_bounds = array<i64: 1024, 32>}, {pipeline_mode = #tpu.pipeline_mode<synchronous>, transform_indices = @transform_2, window_bounds = array<i64: 1024, 32>}, {}]} {
    %get3A = arith.constant 0 : index
    %get3A_0 = arith.constant 0 : index
    %get3A_1 = vector.load %arg2[%get3A, %get3A_0] : memref<1024x32xf32, #tpu.memory_space<vmem>>, vector<1024x32xf32>
    %get3A_2 = arith.constant 0 : index
    %get3A_3 = arith.constant 0 : index
    %get3A_4 = vector.load %arg3[%get3A_2, %get3A_3] : memref<1024x32xf32, #tpu.memory_space<vmem>>, vector<1024x32xf32>
    %mul3A = arith.mulf %get3A_1, %get3A_4 : vector<1024x32xf32>
    %convert_element_type3A = arith.truncf %mul3A : vector<1024x32xf32> to vector<1024x32xbf16>
    %gt3A = arith.constant 0 : i32
    %gt3A_5 = arith.cmpi sgt, %arg0, %gt3A : i32
    %convert_element_type3A_6 = arith.extui %gt3A_5 : i1 to i32
    %cond3A = arith.constant 0 : i32
    %cond3A_7 = arith.cmpi ne, %convert_element_type3A_6, %cond3A : i32
    scf.if %cond3A_7 {
      %sub3A = arith.constant 1 : i32
      %sub3A_128 = arith.subi %arg0, %sub3A : i32
      %mul3A_129 = arith.constant 4 : i32
      %mul3A_130 = arith.muli %sub3A_128, %mul3A_129 : i32
      %add3A_131 = arith.constant 0 : i32
      %add3A_132 = arith.addi %mul3A_130, %add3A_131 : i32
      %mul3A_133 = arith.constant 512 : i32
      %mul3A_134 = arith.muli %add3A_132, %mul3A_133 : i32
      %dma_wait3A = arith.constant 0 : i32
      %dma_wait3A_135 = arith.constant 0 : i32
      %dma_wait3A_136 = tpu.memref_slice %arg6[%dma_wait3A_135] : memref<4x!tpu.dma_semaphore, #tpu.memory_space<semaphore_mem>> -> memref<1x!tpu.dma_semaphore, #tpu.memory_space<semaphore_mem>>
      %dma_wait3A_137 = tpu.memref_squeeze %dma_wait3A_136 : memref<1x!tpu.dma_semaphore, #tpu.memory_space<semaphore_mem>> -> memref<!tpu.dma_semaphore, #tpu.memory_space<semaphore_mem>>
      %dma_wait3A_138 = arith.constant 0 : i32
      %dma_wait3A_139 = tpu.memref_slice %arg4[%mul3A_134, %dma_wait3A_138] : memref<100000x1024xf32, #tpu.memory_space<any>> -> memref<512x1024xf32, #tpu.memory_space<any>>
      %dma_wait3A_140 = arith.constant 0 : i32
      %dma_wait3A_141 = arith.constant 0 : i32
      %dma_wait3A_142 = tpu.memref_slice %arg5[%dma_wait3A, %dma_wait3A_140, %dma_wait3A_141] : memref<4x512x1024xf32, #tpu.memory_space<vmem>> -> memref<1x512x1024xf32, #tpu.memory_space<vmem>>
      %dma_wait3A_143 = tpu.memref_squeeze %dma_wait3A_142 : memref<1x512x1024xf32, #tpu.memory_space<vmem>> -> memref<512x1024xf32, #tpu.memory_space<vmem>>
      tpu.wait_dma2 semaphore(%dma_wait3A_137 : memref<!tpu.dma_semaphore, #tpu.memory_space<semaphore_mem>>) src(%dma_wait3A_143 : memref<512x1024xf32, #tpu.memory_space<vmem>>) dst(%dma_wait3A_139 : memref<512x1024xf32, #tpu.memory_space<any>>)
    } else {
    }
    %get3A_8 = arith.constant 0 : index
    %get3A_9 = arith.constant 0 : index
    %get3A_10 = vector.load %arg1[%get3A_8, %get3A_9] : memref<32x2048xf32, #tpu.memory_space<vmem>>, vector<32x512xf32>
    %convert_element_type3A_11 = arith.truncf %get3A_10 : vector<32x512xf32> to vector<32x512xbf16>
    %dot_general3A = arith.constant dense<0.000000e+00> : vector<512x1024xf32>
    %dot_general3A_12 = tpu.matmul %convert_element_type3A_11, %convert_element_type3A, %dot_general3A {dimension_numbers = #tpu.dot_dimension_numbers<[0], [1], [1], [0], [0, 1, 1, 0], [], []>, transpose_lhs_hint = false} : vector<32x512xbf16>, vector<1024x32xbf16>, vector<512x1024xf32> -> vector<512x1024xf32>
    %swap3A = arith.constant 0 : index
    %swap3A_13 = arith.constant 0 : index
    %swap3A_14 = arith.constant 0 : index
    %swap3A_15 = vector.load %arg5[%swap3A, %swap3A_13, %swap3A_14] : memref<4x512x1024xf32, #tpu.memory_space<vmem>>, vector<1x512x1024xf32>
    %swap3A_16 = vector.shape_cast %swap3A_15 : vector<1x512x1024xf32> to vector<512x1024xf32>
    %swap3A_17 = vector.shape_cast %dot_general3A_12 : vector<512x1024xf32> to vector<1x512x1024xf32>
    tpu.vector_store %arg5[%swap3A, %swap3A_13, %swap3A_14], %swap3A_17 {strides = array<i32>} : memref<4x512x1024xf32, #tpu.memory_space<vmem>>, vector<1x512x1024xf32>,
    %mul3A_18 = arith.constant 4 : i32
    %mul3A_19 = arith.muli %arg0, %mul3A_18 : i32
    %add3A = arith.constant 0 : i32
    %add3A_20 = arith.addi %mul3A_19, %add3A : i32
    %mul3A_21 = arith.constant 512 : i32
    %mul3A_22 = arith.muli %add3A_20, %mul3A_21 : i32
    %dma_start3A = arith.constant 0 : i32
    %dma_start3A_23 = arith.constant 0 : i32
    %dma_start3A_24 = tpu.memref_slice %arg6[%dma_start3A_23] : memref<4x!tpu.dma_semaphore, #tpu.memory_space<semaphore_mem>> -> memref<1x!tpu.dma_semaphore, #tpu.memory_space<semaphore_mem>>
    %dma_start3A_25 = tpu.memref_squeeze %dma_start3A_24 : memref<1x!tpu.dma_semaphore, #tpu.memory_space<semaphore_mem>> -> memref<!tpu.dma_semaphore, #tpu.memory_space<semaphore_mem>>
    %dma_start3A_26 = arith.constant 0 : i32
    %dma_start3A_27 = tpu.memref_slice %arg4[%mul3A_22, %dma_start3A_26] : memref<100000x1024xf32, #tpu.memory_space<any>> -> memref<512x1024xf32, #tpu.memory_space<any>>
    %dma_start3A_28 = arith.constant 0 : i32
    %dma_start3A_29 = arith.constant 0 : i32
    %dma_start3A_30 = tpu.memref_slice %arg5[%dma_start3A, %dma_start3A_28, %dma_start3A_29] : memref<4x512x1024xf32, #tpu.memory_space<vmem>> -> memref<1x512x1024xf32, #tpu.memory_space<vmem>>
    %dma_start3A_31 = tpu.memref_squeeze %dma_start3A_30 : memref<1x512x1024xf32, #tpu.memory_space<vmem>> -> memref<512x1024xf32, #tpu.memory_space<vmem>>
    tpu.enqueue_dma source(%dma_start3A_31 : memref<512x1024xf32, #tpu.memory_space<vmem>>) target(%dma_start3A_27 : memref<512x1024xf32, #tpu.memory_space<any>>) target_semaphore(%dma_start3A_25 : memref<!tpu.dma_semaphore, #tpu.memory_space<semaphore_mem>>)
    %gt3A_32 = arith.constant 0 : i32
    %gt3A_33 = arith.cmpi sgt, %arg0, %gt3A_32 : i32
    %convert_element_type3A_34 = arith.extui %gt3A_33 : i1 to i32
    %cond3A_35 = arith.constant 0 : i32
    %cond3A_36 = arith.cmpi ne, %convert_element_type3A_34, %cond3A_35 : i32
    scf.if %cond3A_36 {
      %sub3A = arith.constant 1 : i32
      %sub3A_128 = arith.subi %arg0, %sub3A : i32
      %mul3A_129 = arith.constant 4 : i32
      %mul3A_130 = arith.muli %sub3A_128, %mul3A_129 : i32
      %add3A_131 = arith.constant 1 : i32
      %add3A_132 = arith.addi %mul3A_130, %add3A_131 : i32
      %mul3A_133 = arith.constant 512 : i32
      %mul3A_134 = arith.muli %add3A_132, %mul3A_133 : i32
      %dma_wait3A = arith.constant 1 : i32
      %dma_wait3A_135 = arith.constant 1 : i32
      %dma_wait3A_136 = tpu.memref_slice %arg6[%dma_wait3A_135] : memref<4x!tpu.dma_semaphore, #tpu.memory_space<semaphore_mem>> -> memref<1x!tpu.dma_semaphore, #tpu.memory_space<semaphore_mem>>
      %dma_wait3A_137 = tpu.memref_squeeze %dma_wait3A_136 : memref<1x!tpu.dma_semaphore, #tpu.memory_space<semaphore_mem>> -> memref<!tpu.dma_semaphore, #tpu.memory_space<semaphore_mem>>
      %dma_wait3A_138 = arith.constant 0 : i32
      %dma_wait3A_139 = tpu.memref_slice %arg4[%mul3A_134, %dma_wait3A_138] : memref<100000x1024xf32, #tpu.memory_space<any>> -> memref<512x1024xf32, #tpu.memory_space<any>>
      %dma_wait3A_140 = arith.constant 0 : i32
      %dma_wait3A_141 = arith.constant 0 : i32
      %dma_wait3A_142 = tpu.memref_slice %arg5[%dma_wait3A, %dma_wait3A_140, %dma_wait3A_141] : memref<4x512x1024xf32, #tpu.memory_space<vmem>> -> memref<1x512x1024xf32, #tpu.memory_space<vmem>>
      %dma_wait3A_143 = tpu.memref_squeeze %dma_wait3A_142 : memref<1x512x1024xf32, #tpu.memory_space<vmem>> -> memref<512x1024xf32, #tpu.memory_space<vmem>>
      tpu.wait_dma2 semaphore(%dma_wait3A_137 : memref<!tpu.dma_semaphore, #tpu.memory_space<semaphore_mem>>) src(%dma_wait3A_143 : memref<512x1024xf32, #tpu.memory_space<vmem>>) dst(%dma_wait3A_139 : memref<512x1024xf32, #tpu.memory_space<any>>)
    } else {
    }
    %get3A_37 = arith.constant 0 : index
    %get3A_38 = arith.constant 512 : index
    %get3A_39 = vector.load %arg1[%get3A_37, %get3A_38] : memref<32x2048xf32, #tpu.memory_space<vmem>>, vector<32x512xf32>
    %convert_element_type3A_40 = arith.truncf %get3A_39 : vector<32x512xf32> to vector<32x512xbf16>
    %dot_general3A_41 = arith.constant dense<0.000000e+00> : vector<512x1024xf32>
    %dot_general3A_42 = tpu.matmul %convert_element_type3A_40, %convert_element_type3A, %dot_general3A_41 {dimension_numbers = #tpu.dot_dimension_numbers<[0], [1], [1], [0], [0, 1, 1, 0], [], []>, transpose_lhs_hint = false} : vector<32x512xbf16>, vector<1024x32xbf16>, vector<512x1024xf32> -> vector<512x1024xf32>
    %swap3A_43 = arith.constant 1 : index
    %swap3A_44 = arith.constant 0 : index
    %swap3A_45 = arith.constant 0 : index
    %swap3A_46 = vector.load %arg5[%swap3A_43, %swap3A_44, %swap3A_45] : memref<4x512x1024xf32, #tpu.memory_space<vmem>>, vector<1x512x1024xf32>
    %swap3A_47 = vector.shape_cast %swap3A_46 : vector<1x512x1024xf32> to vector<512x1024xf32>
    %swap3A_48 = vector.shape_cast %dot_general3A_42 : vector<512x1024xf32> to vector<1x512x1024xf32>
    tpu.vector_store %arg5[%swap3A_43, %swap3A_44, %swap3A_45], %swap3A_48 {strides = array<i32>} : memref<4x512x1024xf32, #tpu.memory_space<vmem>>, vector<1x512x1024xf32>,
    %mul3A_49 = arith.constant 4 : i32
    %mul3A_50 = arith.muli %arg0, %mul3A_49 : i32
    %add3A_51 = arith.constant 1 : i32
    %add3A_52 = arith.addi %mul3A_50, %add3A_51 : i32
    %mul3A_53 = arith.constant 512 : i32
    %mul3A_54 = arith.muli %add3A_52, %mul3A_53 : i32
    %dma_start3A_55 = arith.constant 1 : i32
    %dma_start3A_56 = arith.constant 1 : i32
    %dma_start3A_57 = tpu.memref_slice %arg6[%dma_start3A_56] : memref<4x!tpu.dma_semaphore, #tpu.memory_space<semaphore_mem>> -> memref<1x!tpu.dma_semaphore, #tpu.memory_space<semaphore_mem>>
    %dma_start3A_58 = tpu.memref_squeeze %dma_start3A_57 : memref<1x!tpu.dma_semaphore, #tpu.memory_space<semaphore_mem>> -> memref<!tpu.dma_semaphore, #tpu.memory_space<semaphore_mem>>
    %dma_start3A_59 = arith.constant 0 : i32
    %dma_start3A_60 = tpu.memref_slice %arg4[%mul3A_54, %dma_start3A_59] : memref<100000x1024xf32, #tpu.memory_space<any>> -> memref<512x1024xf32, #tpu.memory_space<any>>
    %dma_start3A_61 = arith.constant 0 : i32
    %dma_start3A_62 = arith.constant 0 : i32
    %dma_start3A_63 = tpu.memref_slice %arg5[%dma_start3A_55, %dma_start3A_61, %dma_start3A_62] : memref<4x512x1024xf32, #tpu.memory_space<vmem>> -> memref<1x512x1024xf32, #tpu.memory_space<vmem>>
    %dma_start3A_64 = tpu.memref_squeeze %dma_start3A_63 : memref<1x512x1024xf32, #tpu.memory_space<vmem>> -> memref<512x1024xf32, #tpu.memory_space<vmem>>
    tpu.enqueue_dma source(%dma_start3A_64 : memref<512x1024xf32, #tpu.memory_space<vmem>>) target(%dma_start3A_60 : memref<512x1024xf32, #tpu.memory_space<any>>) target_semaphore(%dma_start3A_58 : memref<!tpu.dma_semaphore, #tpu.memory_space<semaphore_mem>>)
    %gt3A_65 = arith.constant 0 : i32
    %gt3A_66 = arith.cmpi sgt, %arg0, %gt3A_65 : i32
    %convert_element_type3A_67 = arith.extui %gt3A_66 : i1 to i32
    %cond3A_68 = arith.constant 0 : i32
    %cond3A_69 = arith.cmpi ne, %convert_element_type3A_67, %cond3A_68 : i32
    scf.if %cond3A_69 {
      %sub3A = arith.constant 1 : i32
      %sub3A_128 = arith.subi %arg0, %sub3A : i32
      %mul3A_129 = arith.constant 4 : i32
      %mul3A_130 = arith.muli %sub3A_128, %mul3A_129 : i32
      %add3A_131 = arith.constant 2 : i32
      %add3A_132 = arith.addi %mul3A_130, %add3A_131 : i32
      %mul3A_133 = arith.constant 512 : i32
      %mul3A_134 = arith.muli %add3A_132, %mul3A_133 : i32
      %dma_wait3A = arith.constant 2 : i32
      %dma_wait3A_135 = arith.constant 2 : i32
      %dma_wait3A_136 = tpu.memref_slice %arg6[%dma_wait3A_135] : memref<4x!tpu.dma_semaphore, #tpu.memory_space<semaphore_mem>> -> memref<1x!tpu.dma_semaphore, #tpu.memory_space<semaphore_mem>>
      %dma_wait3A_137 = tpu.memref_squeeze %dma_wait3A_136 : memref<1x!tpu.dma_semaphore, #tpu.memory_space<semaphore_mem>> -> memref<!tpu.dma_semaphore, #tpu.memory_space<semaphore_mem>>
      %dma_wait3A_138 = arith.constant 0 : i32
      %dma_wait3A_139 = tpu.memref_slice %arg4[%mul3A_134, %dma_wait3A_138] : memref<100000x1024xf32, #tpu.memory_space<any>> -> memref<512x1024xf32, #tpu.memory_space<any>>
      %dma_wait3A_140 = arith.constant 0 : i32
      %dma_wait3A_141 = arith.constant 0 : i32
      %dma_wait3A_142 = tpu.memref_slice %arg5[%dma_wait3A, %dma_wait3A_140, %dma_wait3A_141] : memref<4x512x1024xf32, #tpu.memory_space<vmem>> -> memref<1x512x1024xf32, #tpu.memory_space<vmem>>
      %dma_wait3A_143 = tpu.memref_squeeze %dma_wait3A_142 : memref<1x512x1024xf32, #tpu.memory_space<vmem>> -> memref<512x1024xf32, #tpu.memory_space<vmem>>
      tpu.wait_dma2 semaphore(%dma_wait3A_137 : memref<!tpu.dma_semaphore, #tpu.memory_space<semaphore_mem>>) src(%dma_wait3A_143 : memref<512x1024xf32, #tpu.memory_space<vmem>>) dst(%dma_wait3A_139 : memref<512x1024xf32, #tpu.memory_space<any>>)
    } else {
    }
    %get3A_70 = arith.constant 0 : index
    %get3A_71 = arith.constant 1024 : index
    %get3A_72 = vector.load %arg1[%get3A_70, %get3A_71] : memref<32x2048xf32, #tpu.memory_space<vmem>>, vector<32x512xf32>
    %convert_element_type3A_73 = arith.truncf %get3A_72 : vector<32x512xf32> to vector<32x512xbf16>
    %dot_general3A_74 = arith.constant dense<0.000000e+00> : vector<512x1024xf32>
    %dot_general3A_75 = tpu.matmul %convert_element_type3A_73, %convert_element_type3A, %dot_general3A_74 {dimension_numbers = #tpu.dot_dimension_numbers<[0], [1], [1], [0], [0, 1, 1, 0], [], []>, transpose_lhs_hint = false} : vector<32x512xbf16>, vector<1024x32xbf16>, vector<512x1024xf32> -> vector<512x1024xf32>
    %swap3A_76 = arith.constant 2 : index
    %swap3A_77 = arith.constant 0 : index
    %swap3A_78 = arith.constant 0 : index
    %swap3A_79 = vector.load %arg5[%swap3A_76, %swap3A_77, %swap3A_78] : memref<4x512x1024xf32, #tpu.memory_space<vmem>>, vector<1x512x1024xf32>
    %swap3A_80 = vector.shape_cast %swap3A_79 : vector<1x512x1024xf32> to vector<512x1024xf32>
    %swap3A_81 = vector.shape_cast %dot_general3A_75 : vector<512x1024xf32> to vector<1x512x1024xf32>
    tpu.vector_store %arg5[%swap3A_76, %swap3A_77, %swap3A_78], %swap3A_81 {strides = array<i32>} : memref<4x512x1024xf32, #tpu.memory_space<vmem>>, vector<1x512x1024xf32>,
    %mul3A_82 = arith.constant 4 : i32
    %mul3A_83 = arith.muli %arg0, %mul3A_82 : i32
    %add3A_84 = arith.constant 2 : i32
    %add3A_85 = arith.addi %mul3A_83, %add3A_84 : i32
    %mul3A_86 = arith.constant 512 : i32
    %mul3A_87 = arith.muli %add3A_85, %mul3A_86 : i32
    %dma_start3A_88 = arith.constant 2 : i32
    %dma_start3A_89 = arith.constant 2 : i32
    %dma_start3A_90 = tpu.memref_slice %arg6[%dma_start3A_89] : memref<4x!tpu.dma_semaphore, #tpu.memory_space<semaphore_mem>> -> memref<1x!tpu.dma_semaphore, #tpu.memory_space<semaphore_mem>>
    %dma_start3A_91 = tpu.memref_squeeze %dma_start3A_90 : memref<1x!tpu.dma_semaphore, #tpu.memory_space<semaphore_mem>> -> memref<!tpu.dma_semaphore, #tpu.memory_space<semaphore_mem>>
    %dma_start3A_92 = arith.constant 0 : i32
    %dma_start3A_93 = tpu.memref_slice %arg4[%mul3A_87, %dma_start3A_92] : memref<100000x1024xf32, #tpu.memory_space<any>> -> memref<512x1024xf32, #tpu.memory_space<any>>
    %dma_start3A_94 = arith.constant 0 : i32
    %dma_start3A_95 = arith.constant 0 : i32
    %dma_start3A_96 = tpu.memref_slice %arg5[%dma_start3A_88, %dma_start3A_94, %dma_start3A_95] : memref<4x512x1024xf32, #tpu.memory_space<vmem>> -> memref<1x512x1024xf32, #tpu.memory_space<vmem>>
    %dma_start3A_97 = tpu.memref_squeeze %dma_start3A_96 : memref<1x512x1024xf32, #tpu.memory_space<vmem>> -> memref<512x1024xf32, #tpu.memory_space<vmem>>
    tpu.enqueue_dma source(%dma_start3A_97 : memref<512x1024xf32, #tpu.memory_space<vmem>>) target(%dma_start3A_93 : memref<512x1024xf32, #tpu.memory_space<any>>) target_semaphore(%dma_start3A_91 : memref<!tpu.dma_semaphore, #tpu.memory_space<semaphore_mem>>)
    %gt3A_98 = arith.constant 0 : i32
    %gt3A_99 = arith.cmpi sgt, %arg0, %gt3A_98 : i32
    %convert_element_type3A_100 = arith.extui %gt3A_99 : i1 to i32
    %cond3A_101 = arith.constant 0 : i32
    %cond3A_102 = arith.cmpi ne, %convert_element_type3A_100, %cond3A_101 : i32
    scf.if %cond3A_102 {
      %sub3A = arith.constant 1 : i32
      %sub3A_128 = arith.subi %arg0, %sub3A : i32
      %mul3A_129 = arith.constant 4 : i32
      %mul3A_130 = arith.muli %sub3A_128, %mul3A_129 : i32
      %add3A_131 = arith.constant 3 : i32
      %add3A_132 = arith.addi %mul3A_130, %add3A_131 : i32
      %mul3A_133 = arith.constant 512 : i32
      %mul3A_134 = arith.muli %add3A_132, %mul3A_133 : i32
      %dma_wait3A = arith.constant 3 : i32
      %dma_wait3A_135 = arith.constant 3 : i32
      %dma_wait3A_136 = tpu.memref_slice %arg6[%dma_wait3A_135] : memref<4x!tpu.dma_semaphore, #tpu.memory_space<semaphore_mem>> -> memref<1x!tpu.dma_semaphore, #tpu.memory_space<semaphore_mem>>
      %dma_wait3A_137 = tpu.memref_squeeze %dma_wait3A_136 : memref<1x!tpu.dma_semaphore, #tpu.memory_space<semaphore_mem>> -> memref<!tpu.dma_semaphore, #tpu.memory_space<semaphore_mem>>
      %dma_wait3A_138 = arith.constant 0 : i32
      %dma_wait3A_139 = tpu.memref_slice %arg4[%mul3A_134, %dma_wait3A_138] : memref<100000x1024xf32, #tpu.memory_space<any>> -> memref<512x1024xf32, #tpu.memory_space<any>>
      %dma_wait3A_140 = arith.constant 0 : i32
      %dma_wait3A_141 = arith.constant 0 : i32
      %dma_wait3A_142 = tpu.memref_slice %arg5[%dma_wait3A, %dma_wait3A_140, %dma_wait3A_141] : memref<4x512x1024xf32, #tpu.memory_space<vmem>> -> memref<1x512x1024xf32, #tpu.memory_space<vmem>>
      %dma_wait3A_143 = tpu.memref_squeeze %dma_wait3A_142 : memref<1x512x1024xf32, #tpu.memory_space<vmem>> -> memref<512x1024xf32, #tpu.memory_space<vmem>>
      tpu.wait_dma2 semaphore(%dma_wait3A_137 : memref<!tpu.dma_semaphore, #tpu.memory_space<semaphore_mem>>) src(%dma_wait3A_143 : memref<512x1024xf32, #tpu.memory_space<vmem>>) dst(%dma_wait3A_139 : memref<512x1024xf32, #tpu.memory_space<any>>)
    } else {
    }
    %get3A_103 = arith.constant 0 : index
    %get3A_104 = arith.constant 1536 : index
    %get3A_105 = vector.load %arg1[%get3A_103, %get3A_104] : memref<32x2048xf32, #tpu.memory_space<vmem>>, vector<32x512xf32>
    %convert_element_type3A_106 = arith.truncf %get3A_105 : vector<32x512xf32> to vector<32x512xbf16>
    %dot_general3A_107 = arith.constant dense<0.000000e+00> : vector<512x1024xf32>
    %dot_general3A_108 = tpu.matmul %convert_element_type3A_106, %convert_element_type3A, %dot_general3A_107 {dimension_numbers = #tpu.dot_dimension_numbers<[0], [1], [1], [0], [0, 1, 1, 0], [], []>, transpose_lhs_hint = false} : vector<32x512xbf16>, vector<1024x32xbf16>, vector<512x1024xf32> -> vector<512x1024xf32>
    %swap3A_109 = arith.constant 3 : index
    %swap3A_110 = arith.constant 0 : index
    %swap3A_111 = arith.constant 0 : index
    %swap3A_112 = vector.load %arg5[%swap3A_109, %swap3A_110, %swap3A_111] : memref<4x512x1024xf32, #tpu.memory_space<vmem>>, vector<1x512x1024xf32>
    %swap3A_113 = vector.shape_cast %swap3A_112 : vector<1x512x1024xf32> to vector<512x1024xf32>
    %swap3A_114 = vector.shape_cast %dot_general3A_108 : vector<512x1024xf32> to vector<1x512x1024xf32>
    tpu.vector_store %arg5[%swap3A_109, %swap3A_110, %swap3A_111], %swap3A_114 {strides = array<i32>} : memref<4x512x1024xf32, #tpu.memory_space<vmem>>, vector<1x512x1024xf32>,
    %lt3A = arith.constant 48 : i32
    %lt3A_115 = arith.cmpi slt, %arg0, %lt3A : i32
    %convert_element_type3A_116 = arith.extui %lt3A_115 : i1 to i32
    %cond3A_117 = arith.constant 0 : i32
    %cond3A_118 = arith.cmpi ne, %convert_element_type3A_116, %cond3A_117 : i32
    scf.if %cond3A_118 {
      %mul3A_128 = arith.constant 4 : i32
      %mul3A_129 = arith.muli %arg0, %mul3A_128 : i32
      %add3A_130 = arith.constant 3 : i32
      %add3A_131 = arith.addi %mul3A_129, %add3A_130 : i32
      %mul3A_132 = arith.constant 512 : i32
      %mul3A_133 = arith.muli %add3A_131, %mul3A_132 : i32
      %dma_start3A_134 = arith.constant 3 : i32
      %dma_start3A_135 = arith.constant 3 : i32
      %dma_start3A_136 = tpu.memref_slice %arg6[%dma_start3A_135] : memref<4x!tpu.dma_semaphore, #tpu.memory_space<semaphore_mem>> -> memref<1x!tpu.dma_semaphore, #tpu.memory_space<semaphore_mem>>
      %dma_start3A_137 = tpu.memref_squeeze %dma_start3A_136 : memref<1x!tpu.dma_semaphore, #tpu.memory_space<semaphore_mem>> -> memref<!tpu.dma_semaphore, #tpu.memory_space<semaphore_mem>>
      %dma_start3A_138 = arith.constant 0 : i32
      %dma_start3A_139 = tpu.memref_slice %arg4[%mul3A_133, %dma_start3A_138] : memref<100000x1024xf32, #tpu.memory_space<any>> -> memref<512x1024xf32, #tpu.memory_space<any>>
      %dma_start3A_140 = arith.constant 0 : i32
      %dma_start3A_141 = arith.constant 0 : i32
      %dma_start3A_142 = tpu.memref_slice %arg5[%dma_start3A_134, %dma_start3A_140, %dma_start3A_141] : memref<4x512x1024xf32, #tpu.memory_space<vmem>> -> memref<1x512x1024xf32, #tpu.memory_space<vmem>>
      %dma_start3A_143 = tpu.memref_squeeze %dma_start3A_142 : memref<1x512x1024xf32, #tpu.memory_space<vmem>> -> memref<512x1024xf32, #tpu.memory_space<vmem>>
      tpu.enqueue_dma source(%dma_start3A_143 : memref<512x1024xf32, #tpu.memory_space<vmem>>) target(%dma_start3A_139 : memref<512x1024xf32, #tpu.memory_space<any>>) target_semaphore(%dma_start3A_137 : memref<!tpu.dma_semaphore, #tpu.memory_space<semaphore_mem>>)
    } else {
    }
    %eq3A = arith.constant 48 : i32
    %eq3A_119 = arith.cmpi eq, %arg0, %eq3A : i32
    %convert_element_type3A_120 = arith.extui %eq3A_119 : i1 to i32
    %cond3A_121 = arith.constant 0 : i32
    %cond3A_122 = arith.cmpi ne, %convert_element_type3A_120, %cond3A_121 : i32
    scf.if %cond3A_122 {
      %mul3A_128 = arith.constant 4 : i32
      %mul3A_129 = arith.muli %arg0, %mul3A_128 : i32
      %add3A_130 = arith.constant 3 : i32
      %add3A_131 = arith.addi %mul3A_129, %add3A_130 : i32
      %mul3A_132 = arith.constant 512 : i32
      %mul3A_133 = arith.muli %add3A_131, %mul3A_132 : i32
      %dma_start3A_134 = arith.constant 3 : i32
      %dma_start3A_135 = arith.constant 3 : i32
      %dma_start3A_136 = tpu.memref_slice %arg6[%dma_start3A_135] : memref<4x!tpu.dma_semaphore, #tpu.memory_space<semaphore_mem>> -> memref<1x!tpu.dma_semaphore, #tpu.memory_space<semaphore_mem>>
      %dma_start3A_137 = tpu.memref_squeeze %dma_start3A_136 : memref<1x!tpu.dma_semaphore, #tpu.memory_space<semaphore_mem>> -> memref<!tpu.dma_semaphore, #tpu.memory_space<semaphore_mem>>
      %dma_start3A_138 = arith.constant 0 : i32
      %dma_start3A_139 = tpu.memref_slice %arg4[%mul3A_133, %dma_start3A_138] : memref<100000x1024xf32, #tpu.memory_space<any>> -> memref<160x1024xf32, #tpu.memory_space<any>>
      %dma_start3A_140 = arith.constant 0 : i32
      %dma_start3A_141 = arith.constant 0 : i32
      %dma_start3A_142 = tpu.memref_slice %arg5[%dma_start3A_134, %dma_start3A_140, %dma_start3A_141] : memref<4x512x1024xf32, #tpu.memory_space<vmem>> -> memref<1x160x1024xf32, #tpu.memory_space<vmem>>
      %dma_start3A_143 = tpu.memref_squeeze %dma_start3A_142 : memref<1x160x1024xf32, #tpu.memory_space<vmem>> -> memref<160x1024xf32, #tpu.memory_space<vmem>>
      tpu.enqueue_dma source(%dma_start3A_143 : memref<160x1024xf32, #tpu.memory_space<vmem>>) target(%dma_start3A_139 : memref<160x1024xf32, #tpu.memory_space<any>>) target_semaphore(%dma_start3A_137 : memref<!tpu.dma_semaphore, #tpu.memory_space<semaphore_mem>>)
    } else {
    }
    %eq3A_123 = arith.constant 48 : i32
    %eq3A_124 = arith.cmpi eq, %arg0, %eq3A_123 : i32
    %convert_element_type3A_125 = arith.extui %eq3A_124 : i1 to i32
    %cond3A_126 = arith.constant 0 : i32
    %cond3A_127 = arith.cmpi ne, %convert_element_type3A_125, %cond3A_126 : i32
    scf.if %cond3A_127 {
      %mul3A_128 = arith.constant 4 : i32
      %mul3A_129 = arith.muli %arg0, %mul3A_128 : i32
      %add3A_130 = arith.constant 0 : i32
      %add3A_131 = arith.addi %mul3A_129, %add3A_130 : i32
      %mul3A_132 = arith.constant 512 : i32
      %mul3A_133 = arith.muli %add3A_131, %mul3A_132 : i32
      %dma_wait3A = arith.constant 0 : i32
      %dma_wait3A_134 = arith.constant 0 : i32
      %dma_wait3A_135 = tpu.memref_slice %arg6[%dma_wait3A_134] : memref<4x!tpu.dma_semaphore, #tpu.memory_space<semaphore_mem>> -> memref<1x!tpu.dma_semaphore, #tpu.memory_space<semaphore_mem>>
      %dma_wait3A_136 = tpu.memref_squeeze %dma_wait3A_135 : memref<1x!tpu.dma_semaphore, #tpu.memory_space<semaphore_mem>> -> memref<!tpu.dma_semaphore, #tpu.memory_space<semaphore_mem>>
      %dma_wait3A_137 = arith.constant 0 : i32
      %dma_wait3A_138 = tpu.memref_slice %arg4[%mul3A_133, %dma_wait3A_137] : memref<100000x1024xf32, #tpu.memory_space<any>> -> memref<512x1024xf32, #tpu.memory_space<any>>
      %dma_wait3A_139 = arith.constant 0 : i32
      %dma_wait3A_140 = arith.constant 0 : i32
      %dma_wait3A_141 = tpu.memref_slice %arg5[%dma_wait3A, %dma_wait3A_139, %dma_wait3A_140] : memref<4x512x1024xf32, #tpu.memory_space<vmem>> -> memref<1x512x1024xf32, #tpu.memory_space<vmem>>
      %dma_wait3A_142 = tpu.memref_squeeze %dma_wait3A_141 : memref<1x512x1024xf32, #tpu.memory_space<vmem>> -> memref<512x1024xf32, #tpu.memory_space<vmem>>
      tpu.wait_dma2 semaphore(%dma_wait3A_136 : memref<!tpu.dma_semaphore, #tpu.memory_space<semaphore_mem>>) src(%dma_wait3A_142 : memref<512x1024xf32, #tpu.memory_space<vmem>>) dst(%dma_wait3A_138 : memref<512x1024xf32, #tpu.memory_space<any>>)
      %mul3A_143 = arith.constant 4 : i32
      %mul3A_144 = arith.muli %arg0, %mul3A_143 : i32
      %add3A_145 = arith.constant 1 : i32
      %add3A_146 = arith.addi %mul3A_144, %add3A_145 : i32
      %mul3A_147 = arith.constant 512 : i32
      %mul3A_148 = arith.muli %add3A_146, %mul3A_147 : i32
      %dma_wait3A_149 = arith.constant 1 : i32
      %dma_wait3A_150 = arith.constant 1 : i32
      %dma_wait3A_151 = tpu.memref_slice %arg6[%dma_wait3A_150] : memref<4x!tpu.dma_semaphore, #tpu.memory_space<semaphore_mem>> -> memref<1x!tpu.dma_semaphore, #tpu.memory_space<semaphore_mem>>
      %dma_wait3A_152 = tpu.memref_squeeze %dma_wait3A_151 : memref<1x!tpu.dma_semaphore, #tpu.memory_space<semaphore_mem>> -> memref<!tpu.dma_semaphore, #tpu.memory_space<semaphore_mem>>
      %dma_wait3A_153 = arith.constant 0 : i32
      %dma_wait3A_154 = tpu.memref_slice %arg4[%mul3A_148, %dma_wait3A_153] : memref<100000x1024xf32, #tpu.memory_space<any>> -> memref<512x1024xf32, #tpu.memory_space<any>>
      %dma_wait3A_155 = arith.constant 0 : i32
      %dma_wait3A_156 = arith.constant 0 : i32
      %dma_wait3A_157 = tpu.memref_slice %arg5[%dma_wait3A_149, %dma_wait3A_155, %dma_wait3A_156] : memref<4x512x1024xf32, #tpu.memory_space<vmem>> -> memref<1x512x1024xf32, #tpu.memory_space<vmem>>
      %dma_wait3A_158 = tpu.memref_squeeze %dma_wait3A_157 : memref<1x512x1024xf32, #tpu.memory_space<vmem>> -> memref<512x1024xf32, #tpu.memory_space<vmem>>
      tpu.wait_dma2 semaphore(%dma_wait3A_152 : memref<!tpu.dma_semaphore, #tpu.memory_space<semaphore_mem>>) src(%dma_wait3A_158 : memref<512x1024xf32, #tpu.memory_space<vmem>>) dst(%dma_wait3A_154 : memref<512x1024xf32, #tpu.memory_space<any>>)
      %mul3A_159 = arith.constant 4 : i32
      %mul3A_160 = arith.muli %arg0, %mul3A_159 : i32
      %add3A_161 = arith.constant 2 : i32
      %add3A_162 = arith.addi %mul3A_160, %add3A_161 : i32
      %mul3A_163 = arith.constant 512 : i32
      %mul3A_164 = arith.muli %add3A_162, %mul3A_163 : i32
      %dma_wait3A_165 = arith.constant 2 : i32
      %dma_wait3A_166 = arith.constant 2 : i32
      %dma_wait3A_167 = tpu.memref_slice %arg6[%dma_wait3A_166] : memref<4x!tpu.dma_semaphore, #tpu.memory_space<semaphore_mem>> -> memref<1x!tpu.dma_semaphore, #tpu.memory_space<semaphore_mem>>
      %dma_wait3A_168 = tpu.memref_squeeze %dma_wait3A_167 : memref<1x!tpu.dma_semaphore, #tpu.memory_space<semaphore_mem>> -> memref<!tpu.dma_semaphore, #tpu.memory_space<semaphore_mem>>
      %dma_wait3A_169 = arith.constant 0 : i32
      %dma_wait3A_170 = tpu.memref_slice %arg4[%mul3A_164, %dma_wait3A_169] : memref<100000x1024xf32, #tpu.memory_space<any>> -> memref<512x1024xf32, #tpu.memory_space<any>>
      %dma_wait3A_171 = arith.constant 0 : i32
      %dma_wait3A_172 = arith.constant 0 : i32
      %dma_wait3A_173 = tpu.memref_slice %arg5[%dma_wait3A_165, %dma_wait3A_171, %dma_wait3A_172] : memref<4x512x1024xf32, #tpu.memory_space<vmem>> -> memref<1x512x1024xf32, #tpu.memory_space<vmem>>
      %dma_wait3A_174 = tpu.memref_squeeze %dma_wait3A_173 : memref<1x512x1024xf32, #tpu.memory_space<vmem>> -> memref<512x1024xf32, #tpu.memory_space<vmem>>
      tpu.wait_dma2 semaphore(%dma_wait3A_168 : memref<!tpu.dma_semaphore, #tpu.memory_space<semaphore_mem>>) src(%dma_wait3A_174 : memref<512x1024xf32, #tpu.memory_space<vmem>>) dst(%dma_wait3A_170 : memref<512x1024xf32, #tpu.memory_space<any>>)
      %mul3A_175 = arith.constant 4 : i32
      %mul3A_176 = arith.muli %arg0, %mul3A_175 : i32
      %add3A_177 = arith.constant 4 : i32
      %add3A_178 = arith.addi %mul3A_176, %add3A_177 : i32
      %sub3A = arith.constant 1 : i32
      %sub3A_179 = arith.subi %add3A_178, %sub3A : i32
      %mul3A_180 = arith.constant 512 : i32
      %mul3A_181 = arith.muli %sub3A_179, %mul3A_180 : i32
      %dma_wait3A_182 = arith.constant 3 : i32
      %dma_wait3A_183 = arith.constant 3 : i32
      %dma_wait3A_184 = tpu.memref_slice %arg6[%dma_wait3A_183] : memref<4x!tpu.dma_semaphore, #tpu.memory_space<semaphore_mem>> -> memref<1x!tpu.dma_semaphore, #tpu.memory_space<semaphore_mem>>
      %dma_wait3A_185 = tpu.memref_squeeze %dma_wait3A_184 : memref<1x!tpu.dma_semaphore, #tpu.memory_space<semaphore_mem>> -> memref<!tpu.dma_semaphore, #tpu.memory_space<semaphore_mem>>
      %dma_wait3A_186 = arith.constant 0 : i32
      %dma_wait3A_187 = tpu.memref_slice %arg4[%mul3A_181, %dma_wait3A_186] : memref<100000x1024xf32, #tpu.memory_space<any>> -> memref<160x1024xf32, #tpu.memory_space<any>>
      %dma_wait3A_188 = arith.constant 0 : i32
      %dma_wait3A_189 = arith.constant 0 : i32
      %dma_wait3A_190 = tpu.memref_slice %arg5[%dma_wait3A_182, %dma_wait3A_188, %dma_wait3A_189] : memref<4x512x1024xf32, #tpu.memory_space<vmem>> -> memref<1x160x1024xf32, #tpu.memory_space<vmem>>
      %dma_wait3A_191 = tpu.memref_squeeze %dma_wait3A_190 : memref<1x160x1024xf32, #tpu.memory_space<vmem>> -> memref<160x1024xf32, #tpu.memory_space<vmem>>
      tpu.wait_dma2 semaphore(%dma_wait3A_185 : memref<!tpu.dma_semaphore, #tpu.memory_space<semaphore_mem>>) src(%dma_wait3A_191 : memref<160x1024xf32, #tpu.memory_space<vmem>>) dst(%dma_wait3A_187 : memref<160x1024xf32, #tpu.memory_space<any>>)
    } else {
    }
    return
  }
  func.func @transform_0(%arg0: i32) -> (i32, i32) {
    %c0_i32 = arith.constant 0 : i32
    %c0_i32_0 = arith.constant 0 : i32
    return %c0_i32, %arg0 : i32, i32
  }
  func.func @transform_1(%arg0: i32) -> (i32, i32) {
    %c0_i32 = arith.constant 0 : i32
    %c0_i32_0 = arith.constant 0 : i32
    %c0_i32_1 = arith.constant 0 : i32
    return %c0_i32, %c0_i32_0 : i32, i32
  }
  func.func @transform_2(%arg0: i32) -> (i32, i32) {
    %c0_i32 = arith.constant 0 : i32
    %c0_i32_0 = arith.constant 0 : i32
    %c0_i32_1 = arith.constant 0 : i32
    return %c0_i32, %c0_i32_0 : i32, i32
  }
}

</mosaic_0001>

<sc_bundles>
// kernel: kernel.4.cloned.1.call-start
scs
__scs_entry_jumppad:
0x0: {  	(pc) =	sbr.rel $0x88, $3  }
0x1: {  	(tag) =	ssettag $0x0;
	lr =	simm.s32 $0x1  }
0x2: {  	[smem:$0x3F9E] =	sst lr;
	_ =	strace $0xD0000000  }
0x3: {  	_ = 	snop  }
0x4: {  	_ = 	snop  }
0x5: {  	_ = 	snop  }
0x6: {  	_ = 	snop  }
0x7: {  	_ = 	snop  }
__scs_overlays_trampoline_lowered:
0x8: {  	[smem:$0x3FAD] =	sst s0  }
0x9: {  	[smem:$0x3FAE] =	sst s1  }
0xa: {  	[smem:$0x3FAF] =	sst s2  }
0xb: {  	[smem:$0x3FB0] =	sst s3  }
0xc: {  	[smem:$0x3FB1] =	sst s4  }
0xd: {  	[smem:$0x3FB2] =	sst s5  }
0xe: {  	[smem:$0x3FB3] =	sst s6  }
0xf: {  	[smem:$0x3FB4] =	sst s7  }
0x10: {  	[smem:$0x3FB5] =	sst s8  }
0x11: {  	[smem:$0x3FB6] =	sst s9;
	s0 =	simm.s32 @!p0 $0x0  }
0x12: {  	s1 =	sld [smem:$0x3F9C];
	s0 =	simm.s32 @p0 $0x1  }
0x13: {  	[smem:$0x3FB7] =	sst s0;
	s0 =	simm.s32 @!p1 $0x0  }
0x14: {  	s2 =	sld [smem:$0x3F9B];
	s0 =	simm.s32 @p1 $0x1  }
0x15: {  	[smem:$0x3FB8] =	sst s0;
	s0 =	simm.s32 @!p2 $0x0  }
0x16: {  	s3 =	sld [smem:$0x3FDB];
	s0 =	simm.s32 @p2 $0x1  }
0x17: {  	s4 =	simm.s32 $0x1BF5;
	[smem:$0x3FBA] =	sst s0  }
0x18: {  	s0 =	sld [smem:$0x3F9D];
	_ =	swait.ge [sflag:s4], $0x0  }
0x19: {  	s7 =	sld [smem:$0x3F9E]  }
0x1a: {  	s8 =	sadd.s32 $0xFFFFE003, lr  }
0x1b: {  	s9 =	sadd.s32 $0xFFFFFEF7, lr;
	s5 =	simm.s32 $0xFFFFFFFF;
	p2 =	slt.u32 s8, $0xFFFFF086  }
0x1c: {  	p1 =	slt.u32 s9, $0xF7A;
	s5 =	simm.s32 @!p2 $0x0  }
0x1d: {  	s5 =	simm.s32 @p1 $0x1;
	p0 =	seq.s32 s7, s2  }
0x1e: {  	s7 =	smul.u32 @!p0 $0xF7A, s2;
	p2 =	seq.s32 @!p0 s5, $0x0  }
0x1f: {  	s9 =	smul.u32 $0xF7A, s1;
	s8 =	simm.s32 @!p0 $0x1BF5;
	p2 =	por !p2, p0  }
0x20: {  	[sflag:s8] =	ssyncset.s32 @!p0 $0xFFFFF086;
	s6 =	sadd.s32 @!p0 s3, s7;
	s7 =	simm.s32 @!p0 $0x108  }
0x21: {  	s3 =	sadd.s32 s3, s9;
	s6 =	sadd.s32 @!p0 $0x88, s6;
	s7 =	simm.s32 @p2 $0x1082  }
0x22: {  	[simem:s7], [sflag:s8] =	dma.local @!p0 [hbm:s6], $0xF7A  }
0x23: {  	s9 =	sor.u32 $0xD0000000, s2;
	s6 =	simm.s32 $0x108;
	_ =	swait.ge @!p0 [sflag:s8], $0x0  }
0x24: {  	s3 =	sadd.s32 $0x88, s3;
	s6 =	simm.s32 @!p1 $0x1082;
	[sflag:s4] =	ssyncset.s32 $0xFFFFF086  }
0x25: {  	[simem:s6], [sflag:s4] =	dma.local [hbm:s3], $0xF7A  }
0x26: {  	[smem:$0x3F9E] =	sst s1;
	(tag) =	ssettag s2;
	_ =	strace s9  }
0x27: {  	s1 =	sld [smem:$0x3FAE]  }
0x28: {  	s2 =	sld [smem:$0x3FAF]  }
0x29: {  	s4 =	sld [smem:$0x3FB1]  }
0x2a: {  	p0 =	seq.s32 s5, $0x0;
	s5 =	sld [smem:$0x3FB2]  }
0x2b: {  	s6 =	sld [smem:$0x3FB3]  }
0x2c: {  	s7 =	sld [smem:$0x3FB4]  }
0x2d: {  	s3 =	simm.s32 $0x108;
	s8 =	sld [smem:$0x3FB5]  }
0x2e: {  	s3 =	simm.s32 @!p0 $0x1082;
	s9 =	sld [smem:$0x3FB6]  }
0x2f: {  	lr =	sadd.s32 s0, s3;
	s0 =	sld [smem:$0x3FAD]  }
0x30: {  	s3 =	sld [smem:$0x3FB0]  }
0x31: {  	[smem:$0x3FB9] =	sst s10  }
0x32: {  	s10 =	sld [smem:$0x3FB7];
	_ =	sdelay $0x3  }
0x33: {  	p0 =	seq.s32 s10, $0x1;
	s10 =	sld [smem:$0x3FB9];
	_ =	sdelay $0x3  }
0x34: {  	[smem:$0x3FB9] =	sst s10  }
0x35: {  	s10 =	sld [smem:$0x3FB8];
	_ =	sdelay $0x3  }
0x36: {  	p1 =	seq.s32 s10, $0x1;
	s10 =	sld [smem:$0x3FB9];
	_ =	sdelay $0x3  }
0x37: {  	[smem:$0x3FB9] =	sst s10  }
0x38: {  	s10 =	sld [smem:$0x3FBA]  }
0x39: {  	_ = 	snop;
	(pc) =	sbr.ind lr, $3  }
0x3a: {  	_ = 	snop  }
0x3b: {  	_ = 	snop  }
0x3c: {  	p2 =	seq.s32 s10, $0x1;
	s10 =	sld [smem:$0x3FB9]  }
0x3d: {  	_ =	shalt  }
0x3e: {  	_ =	shalt  }
0x3f: {  	_ =	shalt  }
0x40: {  	_ =	shalt  }
0x41: {  	_ =	shalt  }
0x42: {  	_ =	shalt  }
0x43: {  	_ =	shalt  }
0x44: {  	_ =	shalt  }
0x45: {  	_ =	shalt  }
0x46: {  	_ =	shalt  }
0x47: {  	_ =	shalt  }
0x48: {  	_ =	shalt  }
0x49: {  	_ =	shalt  }
0x4a: {  	_ =	shalt  }
0x4b: {  	_ =	shalt  }
0x4c: {  	_ =	shalt  }
0x4d: {  	_ =	shalt  }
0x4e: {  	_ =	shalt  }
0x4f: {  	_ =	shalt  }
0x50: {  	_ =	shalt  }
0x51: {  	_ =	shalt  }
0x52: {  	_ =	shalt  }
0x53: {  	_ =	shalt  }
0x54: {  	_ =	shalt  }
0x55: {  	_ =	shalt  }
0x56: {  	_ =	shalt  }
0x57: {  	_ =	shalt  }
0x58: {  	_ =	shalt  }
0x59: {  	_ =	shalt  }
0x5a: {  	_ =	shalt  }
0x5b: {  	_ =	shalt  }
0x5c: {  	_ =	shalt  }
0x5d: {  	_ =	shalt  }
0x5e: {  	_ =	shalt  }
0x5f: {  	_ =	shalt  }
0x60: {  	_ =	shalt  }
0x61: {  	_ =	shalt  }
0x62: {  	_ =	shalt  }
0x63: {  	_ =	shalt  }
0x64: {  	_ =	shalt  }
0x65: {  	_ =	shalt  }
0x66: {  	_ =	shalt  }
0x67: {  	_ =	shalt  }
0x68: {  	_ =	shalt  }
0x69: {  	_ =	shalt  }
0x6a: {  	_ =	shalt  }
0x6b: {  	_ =	shalt  }
0x6c: {  	_ =	shalt  }
0x6d: {  	_ =	shalt  }
0x6e: {  	_ =	shalt  }
0x6f: {  	_ =	shalt  }
0x70: {  	_ =	shalt  }
0x71: {  	_ =	shalt  }
0x72: {  	_ =	shalt  }
0x73: {  	_ =	shalt  }
0x74: {  	_ =	shalt  }
0x75: {  	_ =	shalt  }
0x76: {  	_ =	shalt  }
0x77: {  	_ =	shalt  }
0x78: {  	_ =	shalt  }
0x79: {  	_ =	shalt  }
0x7a: {  	_ =	shalt  }
0x7b: {  	_ =	shalt  }
0x7c: {  	_ =	shalt  }
0x7d: {  	_ =	shalt  }
0x7e: {  	_ =	shalt  }
0x7f: {  	_ =	shalt  }
0x80: {  	_ =	shalt  }
0x81: {  	_ =	shalt  }
0x82: {  	_ =	shalt  }
0x83: {  	_ =	shalt  }
0x84: {  	_ =	shalt  }
0x85: {  	_ =	shalt  }
0x86: {  	_ =	shalt  }
0x87: {  	_ =	shalt  }
.Lfunc_end0:
.L_simem_size_0:
called_computation_lowered:
.L_overlay_start_0:
0x88: {  	s2 =	sld [smem:$0x3FD9]  }
0x89: {  	s3 =	sld [smem:$0x3FFE];
	_ =	sdelay $0x1  }
0x8a: {  	s1 =	srdreg.scid  }
0x8b: {  	s0 =	sand.u32 $0x1, s1  }
0x8c: {  	s14 =	sshll.u32 s0, $0xA;
	s2 =	sadd.s32 s3, s2  }
0x8d: {  	s2 =	sadd.s32 s2, s14  }
0x8e: {  	[smem:$0x3FC5] =	sst s2  }
0x8f: {  	_ = 	snop  }
0x90: {  	s2 =	sld [smem:$0x3FD0];
	_ =	sdelay $0x2  }
0x91: {  	s15 =	simm.s32 $0xA;
	s4 =	simm.s32 $0x10  }
0x92: {  	[smem:s4], [sflag:s15] =	dma.local [hbm:s2], $0x1  }
0x93: {  	_ =	swait.eq [sflag:s15], $0x1  }
0x94: {  	s16 =	sld [smem:$0x11];
	[sflag:s15] =	ssyncset.done $0x0  }
0x95: {  	s17 =	sld [smem:$0x12];
	[sflag:s15] =	ssyncadd.s32 $0xFFFFFFFF  }
0x96: {  	s18 =	sld [smem:$0x13];
	(tm) =	ssettm $0x1  }
0x97: {  	s5 =	sld [smem:$0x3FFB];
	_ =	sdelay $0x3  }
0x98: {  	_ =	strace s5  }
0x99: {  	s5 =	sld [smem:$0x3FFC];
	_ =	sdelay $0x3  }
0x9a: {  	_ =	strace s5  }
0x9b: {  	s5 =	sld [smem:$0x3FFD];
	_ =	sdelay $0x3  }
0x9c: {  	_ =	strace s5  }
0x9d: {  	_ =	strace $0x8FFFFFFF  }
0x9e: {  	s19 =	sld [smem:$0x3FDB];
	_ =	sdelay $0x1  }
0x9f: {  	s6 =	simm.s32 $_scs_section_size  }
0xa0: {  	s7 =	simm.s32 $_size__tile_overlayer_lowered;
	s8 =	simm.s32 $_tile_overlayer_lowered  }
0xa1: {  	s22 =	simm.s32 $0x1BFF;
	s21 =	sshll.u32 s8, $0x1;
	s5 =	sadd.s32 s6, s19  }
0xa2: {  	s9 =	simm.s32 $0x0;
	s20 =	sshll.u32 s7, $0x1;
	s7 =	sadd.s32 s21, s5  }
0xa3: {  	[timem:s9], [sflag:s22] =	dma.local [hbm:s7], s20  }
0xa4: {  	_ =	swait.ge [sflag:s22], s20  }
0xa5: {  	s6 =	ssub.s32 $0x0, s20;
	[sflag:s22] =	ssyncset.done $0x0  }
0xa6: {  	[sflag:s22] =	ssyncadd.s32 s6;
	_ =	sdelay $0x1  }
0xa7: {  	s23 =	simm.s32 $0x1B8B  }
0xa8: {  	_ =	swait.ge [sflag:s23], $0x1  }
0xa9: {  	[sflag:s23] =	ssyncset.done $0x0  }
0xaa: {  	s25 =	simm.s32 $0x1B8E;
	s24 =	sld [smem:$0x3FFE];
	[sflag:s23] =	ssyncadd.s32 $0xFFFFFFFF  }
0xab: {  	s26 =	simm.s32 $execute0_lowered;
	[smem:$0x3FD2] =	sst s25  }
0xac: {  	s7 =	sshll.u32 s26, $0x1;
	_ =	strace $0x80000046;
	[dreg:$0x1] =	wrdreg $0xFFFFFFFF  }
0xad: {  	s28 =	simm.s32 $_size_execute0_lowered;
	s5 =	sadd.s32 s5, s7;
	[dreg:$0x0] =	wrdreg $0x0  }
0xae: {  	s7 =	sshll.u32 s28, $0x1;
	[dreg:$0x2] =	wrdreg s5  }
0xaf: {  	[dreg:$0x3] =	wrdreg s7  }
0xb0: {  	[dreg:$0x4] =	wrdreg $0xC0  }
0xb1: {  	_ =	task [dreg:s9], $0x5FFFF  }
0xb2: {  	[dreg:$0x1] =	wrdreg $0xFFFFFFFF  }
0xb3: {  	[dreg:$0x0] =	wrdreg $0x60  }
0xb4: {  	[dreg:$0x2] =	wrdreg s24  }
0xb5: {  	[dreg:$0x3] =	wrdreg s18  }
0xb6: {  	[dreg:$0x4] =	wrdreg s17  }
0xb7: {  	[dreg:$0x5] =	wrdreg s16  }
0xb8: {  	[dreg:$0x6] =	wrdreg $0x9  }
0xb9: {  	_ =	task.clear_ibuf [dreg:s9], $0x7FFFF;
	_ =	strace $0x90000046  }
0xba: {  	s29 =	simm.s32 $0x9;
	_ =	strace $0x80000048  }
0xbb: {  	_ =	swait.ge [sflag:s29], $0x1  }
0xbc: {  	[sflag:s29] =	ssyncadd.s32 $0xFFFFFFFF  }
0xbd: {  	_ =	strace $0x90000048  }
0xbe: {  	_ =	sfence  }
0xbf: {  	s30 =	sld [smem:$0x0];
	_ =	sdelay $0x2  }
0xc0: {  	s31 =	sshll.u32 s1, $0xD;
	s1 =	sshrl.u32 s1, $0x2  }
0xc1: {  	s3 =	sand.u32 $0x4000, s31;
	s1 =	sadd.s32 s1, s30  }
0xc2: {  	s0 =	sor.u32 s3, s0;
	s1 =	sshll.u32 s1, $0x11  }
0xc3: {  	s0 =	sor.u32 s1, s0  }
0xc4: {  	s0 =	sadd.s32 $0x8F2B, s0  }
0xc5: {  	[sflag:s0] =	ssyncadd.remote.s32 $0x1  }
0xc6: {  	_ =	sfence.sel $0xFFFF  }
0xc7: {  	[dreg:$0x0] =	wrdreg $0xFFFFFFFF;
	(pc) =	sbr.abs _section_cstart, $3  }
0xc8: {  	[dreg:$0x1] =	wrdreg $0xFFFFFFFF  }
0xc9: {  	_ =	task.clear_ibuf [dreg:s9], $0x2FFFF;
	_ =	strace $0x9FFFFFFF  }
0xca: {  	(tm) =	ssettm $0x7FFFFFFF  }
0xcb: {  	_ =	shalt  }
tec
execute0_lowered:
.L_overlay_start_1:
0x0: {  	(tag) =	ssettag $0x1  }
0x1: {  	s19 =	rddreg [dreg:$0x0];
	s2 =	srdreg.scid  }
0x2: {  	s1 =	rddreg [dreg:$0x1];
	s0 =	stileid.u32;
	s18 =	sand.u32 $0x1, s2  }
0x3: {  	s15 =	rddreg [dreg:$0x2];
	s30 =	sshll.u32 s0, $0x6;
	s3 =	sshll.u32 s18, $0x5  }
0x4: {  	s17 =	rddreg [dreg:$0x3];
	s16 =	sor.u32 s3, s30  }
0x5: {  	s2 =	rddreg [dreg:$0x4];
	s3 =	simm.s32 $0x0;
	s4 =	sshrl.u32 s16, $0x3  }
0x6: {  	[smem:$0x7FF] =	sst s3;
	s8 =	sadd.s32 s4, s19  }
0x7: {  	_ =	strace $0x80000047;
	s4 =	simm.s32 $0x4;
	s5 =	sadd.s32 $0x2400, s8  }
0x8: {  	[tilespmem:s3], [sflag:$0x4] =	stream.linear.gather [hbm4b:s5+s3], $0x20, $0x38;
	[tilespmem:$0xC60] =	vst v63  }
0x9: {  	_ =	swait.ge [sflag:s4], $0x20  }
0xa: {  	[sflag:s4] =	ssyncset.done $0x0  }
0xb: {  	s7 =	simm.s32 $0x420;
	s6 =	sadd.s32 $0x2200, s8;
	[sflag:s4] =	ssyncadd.s32 $0xFFFFFFE0  }
0xc: {  	[tilespmem:s7], [sflag:$0x4] =	stream.linear.gather [hbm4b:s6+s3], $0x20, $0x38;
	[tilespmem:$0xC60] =	vst v63  }
0xd: {  	_ =	swait.ge [sflag:s4], $0x20  }
0xe: {  	[sflag:s4] =	ssyncset.done $0x0  }
0xf: {  	s9 =	simm.s32 $0x840;
	s8 =	sadd.s32 $0x2000, s8;
	[sflag:s4] =	ssyncadd.s32 $0xFFFFFFE0  }
0x10: {  	[tilespmem:s9], [sflag:$0x4] =	stream.linear.gather [hbm4b:s8+s3], $0x20, $0x38;
	[tilespmem:$0xC60] =	vst v63  }
0x11: {  	_ =	swait.ge [sflag:s4], $0x20  }
0x12: {  	[sflag:s4] =	ssyncset.done $0x0  }
0x13: {  	s11 =	simm.s32 $0x20;
	s10 =	sadd.s32 $0x2600, s19;
	[sflag:s4] =	ssyncadd.s32 $0xFFFFFFE0  }
0x14: {  	[tilespmem:s11], [sflag:$0x1] =	stream.indirect.gather [hbm4b:s10+s11], $0x20, s3, s11, $0xb8;
	[tilespmem:$0xC60] =	vst v63  }
0x15: {  	s12 =	simm.s32 $0x440  }
0x16: {  	[tilespmem:s12], [sflag:$0x2] =	stream.indirect.gather [hbm4b:s1+s11], $0x20, s7, s11, $0xb8;
	[tilespmem:$0xC60] =	vst v63  }
0x17: {  	s13 =	simm.s32 $0x860;
	s14 =	simm.s32 $0x1  }
0x18: {  	[tilespmem:s13], [sflag:$0x3] =	stream.indirect.gather [hbm4b:s10+s11], $0x20, s9, s11, $0xb8;
	[tilespmem:$0xC60] =	vst v63  }
0x19: {  	_ =	swait.ge [sflag:s14], $0x400  }
0x1a: {  	s20 =	sshll.u32 s16, $0x2;
	[sflag:s14] =	ssyncset.done $0x0  }
0x1b: {  	s15 =	sadd.s32 s15, s20;
	[sflag:s14] =	ssyncadd.s32 $0xFFFFFC00  }
0x1c: {  	[hbm4b:s15+s3] =	stream.linear.scatter [tilespmem:s11], [sflag:$0x4], $0x400, $0x38;
	[tilespmem:$0xC60] =	vst v63  }
0x1d: {  	_ =	swait.ge [sflag:s4], $0x400  }
0x1e: {  	[sflag:s4] =	ssyncset.done $0x0  }
0x1f: {  	s16 =	simm.s32 $0x2;
	[sflag:s4] =	ssyncadd.s32 $0xFFFFFC00  }
0x20: {  	_ =	swait.ge [sflag:s16], $0x400  }
0x21: {  	[sflag:s16] =	ssyncset.done $0x0  }
0x22: {  	s21 =	ssub.s32 $0x2, s18;
	s17 =	sadd.s32 s17, s20;
	[sflag:s16] =	ssyncadd.s32 $0xFFFFFC00  }
0x23: {  	[hbm4b:s17+s3] =	stream.linear.scatter [tilespmem:s12], [sflag:$0x4], $0x400, $0x38;
	[tilespmem:$0xC60] =	vst v63  }
0x24: {  	s22 =	sshrl.u32 s21, $0x1;
	_ =	swait.ge [sflag:s4], $0x400  }
0x25: {  	s18 =	simm.s32 $0x3;
	s31 =	ssub.s32 s21, s22;
	[sflag:s4] =	ssyncset.done $0x0  }
0x26: {  	s19 =	sadd.s32 s20, s19;
	s20 =	smax.u32 s31, $0x1;
	[sflag:s4] =	ssyncadd.s32 $0xFFFFFC00  }
0x27: {  	p0 =	sne.s32 s20, $0x1;
	_ =	swait.ge [sflag:s18], $0x400  }
.Ltmp0:
0x28: {  	[sflag:s18] =	ssyncset.done $0x0;
	(pc) =	sbr.rel @!p0 .LBB2_2-.Ltmp0, $4  }
0x29: {  	s19 =	sadd.s32 $0x64200, s19;
	[sflag:s18] =	ssyncadd.s32 $0xFFFFFC00  }
0x2a: {  	[hbm4b:s19+s3] =	stream.linear.scatter [tilespmem:s13], [sflag:$0x4], $0x400, $0x38;
	[tilespmem:$0xC60] =	vst v63  }
0x2b: {  	_ =	swait.ge [sflag:s4], $0x400  }
0x2c: {  	s20 =	sadd.s32 $0xFFFFFFFF, s20;
	[sflag:s4] =	ssyncset.done $0x0  }
.LBB2_1:
0x2d: {  	p0 =	sne.s32 s20, $0x1;
	s20 =	sadd.s32 $0xFFFFFFFF, s20;
	[sflag:s4] =	ssyncadd.s32 $0xFFFFFC00  }
0x2e: {  	[tilespmem:s3], [sflag:$0x4] =	stream.linear.gather [hbm4b:s5+s3], $0x20, $0x38;
	[tilespmem:$0xC60] =	vst v63  }
0x2f: {  	_ =	swait.ge [sflag:s4], $0x20  }
0x30: {  	[sflag:s4] =	ssyncset.done $0x0  }
0x31: {  	[sflag:s4] =	ssyncadd.s32 $0xFFFFFFE0  }
0x32: {  	[tilespmem:s7], [sflag:$0x4] =	stream.linear.gather [hbm4b:s6+s3], $0x20, $0x38;
	[tilespmem:$0xC60] =	vst v63  }
0x33: {  	_ =	swait.ge [sflag:s4], $0x20  }
0x34: {  	[sflag:s4] =	ssyncset.done $0x0  }
0x35: {  	[sflag:s4] =	ssyncadd.s32 $0xFFFFFFE0  }
0x36: {  	[tilespmem:s9], [sflag:$0x4] =	stream.linear.gather [hbm4b:s8+s3], $0x20, $0x38;
	[tilespmem:$0xC60] =	vst v63  }
0x37: {  	_ =	swait.ge [sflag:s4], $0x20  }
0x38: {  	[sflag:s4] =	ssyncset.done $0x0  }
0x39: {  	[sflag:s4] =	ssyncadd.s32 $0xFFFFFFE0  }
0x3a: {  	[tilespmem:s11], [sflag:$0x1] =	stream.indirect.gather [hbm4b:s10+s11], $0x20, s3, s11, $0xb8;
	[tilespmem:$0xC60] =	vst v63  }
0x3b: {  	_ = 	snop  }
0x3c: {  	[tilespmem:s12], [sflag:$0x2] =	stream.indirect.gather [hbm4b:s1+s11], $0x20, s7, s11, $0xb8;
	[tilespmem:$0xC60] =	vst v63  }
0x3d: {  	_ = 	snop  }
0x3e: {  	[tilespmem:s13], [sflag:$0x3] =	stream.indirect.gather [hbm4b:s10+s11], $0x20, s9, s11, $0xb8;
	[tilespmem:$0xC60] =	vst v63  }
0x3f: {  	_ =	swait.ge [sflag:s14], $0x400  }
0x40: {  	[sflag:s14] =	ssyncset.done $0x0  }
0x41: {  	[sflag:s14] =	ssyncadd.s32 $0xFFFFFC00  }
0x42: {  	[hbm4b:s15+s3] =	stream.linear.scatter [tilespmem:s11], [sflag:$0x4], $0x400, $0x38;
	[tilespmem:$0xC60] =	vst v63  }
0x43: {  	_ =	swait.ge [sflag:s4], $0x400  }
0x44: {  	[sflag:s4] =	ssyncset.done $0x0  }
0x45: {  	[sflag:s4] =	ssyncadd.s32 $0xFFFFFC00  }
0x46: {  	_ =	swait.ge [sflag:s16], $0x400  }
0x47: {  	[sflag:s16] =	ssyncset.done $0x0  }
0x48: {  	[sflag:s16] =	ssyncadd.s32 $0xFFFFFC00  }
0x49: {  	[hbm4b:s17+s3] =	stream.linear.scatter [tilespmem:s12], [sflag:$0x4], $0x400, $0x38;
	[tilespmem:$0xC60] =	vst v63  }
0x4a: {  	_ =	swait.ge [sflag:s4], $0x400  }
0x4b: {  	[sflag:s4] =	ssyncset.done $0x0  }
0x4c: {  	[sflag:s4] =	ssyncadd.s32 $0xFFFFFC00  }
0x4d: {  	_ =	swait.ge [sflag:s18], $0x400  }
.Ltmp1:
0x4e: {  	[sflag:s18] =	ssyncset.done $0x0;
	(pc) =	sbr.rel @p0 .LBB2_1-.Ltmp1, $4  }
0x4f: {  	[sflag:s18] =	ssyncadd.s32 $0xFFFFFC00  }
0x50: {  	[hbm4b:s19+s3] =	stream.linear.scatter [tilespmem:s13], [sflag:$0x4], $0x400, $0x38;
	[tilespmem:$0xC60] =	vst v63  }
0x51: {  	_ =	swait.ge [sflag:s4], $0x400  }
0x52: {  	[sflag:s4] =	ssyncset.done $0x0  }
.LBB2_2:
0x53: {  	[sflag:s4] =	ssyncadd.s32 $0xFFFFFC00  }
0x54: {  	_ =	sfence.sel $0x180000  }
0x55: {  	[bflag:$0x0] =	sbarrier.arrive $0xFFFF  }
0x56: {  	p0 =	sne.s32 s0, $0x0;
	_ =	strace $0x90000047  }
0x57: {  	s0 =	sadd.s32 @!p0 $0x100000, s2;
	[bflag:$0x2] =	sbarrier.arrive $0xFFFF  }
0x58: {  	[sflag:s0] =	ssyncadd.tile.s32 @!p0 $0x1;
	_ =	shalt  }
.Lfunc_end2:
_tile_overlayer_lowered:
.L_overlay_start_2:
0x59: {  	(tag) =	ssettag $0x2  }
0x5a: {  	s0 =	rddreg [dreg:$0x0];
	s2 =	stileid.u32  }
0x5b: {  	s1 =	rddreg [dreg:$0x1];
	p0 =	sne.s32 s2, $0x0  }
0x5c: {  	s3 =	rddreg [dreg:$0x2];
	[bflag:$0x3] =	sbarrier.arrive $0xFFFF;
	s2 =	simm.s32 @!p0 $0x1C04  }
0x5d: {  	[timem:s3], [sflag:s2] =	dma.local @!p0 [hbm:s0], s1  }
0x5e: {  	s0 =	simm.s32 @!p0 $0x4  }
0x5f: {  	_ =	swait.ge @!p0 [sflag:s0], s1  }
0x60: {  	s1 =	ssub.s32 @!p0 $0x0, s1;
	[sflag:s0] =	ssyncset.done @!p0 $0x0  }
0x61: {  	[sflag:s0] =	ssyncadd.s32 @!p0 s1  }
0x62: {  	[bflag:$0x3] =	sbarrier.arrive $0xFFFF  }
0x63: {  	_ =	shalt  }

</sc_bundles>
